<compile_context>
chip_gen: v7x
topology: tpu7x:2x2x1
jax: 0.10.2.dev20260603
libtpu: 0.0.44.dev20260713+nightly
codegen_flags: <defaults>
</compile_context>

<pallas_src>
import jax
import jax.numpy as jnp
from jax import lax
from jax.experimental import pallas as pl
from jax.experimental.pallas import tpu as pltpu
from jax.experimental.pallas import tpu_sc as plsc

D_IN_C = 2048
D_OUT_C = 2048
RANK_C = 64

NUM_CORES = 2
NUM_SUBCORES = 16
NNZ_PER_SUB = 2688
NNZ_PAD = NNZ_PER_SUB * NUM_SUBCORES
GROUPS = NNZ_PER_SUB // 128

CHUNK_ROWS = 256
CHUNKS_PER_CORE = 1024 // CHUNK_ROWS
ROWS_PER_TILE = CHUNK_ROWS // NUM_SUBCORES
STAGE_ELEMS = ROWS_PER_TILE * D_IN_C


def _scatter_body(w_hbm, rows_hbm, cols_hbm, vals_hbm, m_out_hbm,
                  rows_v, cols_v, vals_v, idx1f, val1f,
                  stage_v, wb_v, shared, ld_sem, sc_sem, wb_sem):
    c = lax.axis_index("c")
    s = lax.axis_index("s")
    base = pl.multiple_of(s * NNZ_PER_SUB, NNZ_PER_SUB)
    pltpu.sync_copy(rows_hbm.at[pl.ds(base, NNZ_PER_SUB)], rows_v)
    pltpu.sync_copy(cols_hbm.at[pl.ds(base, NNZ_PER_SUB)], cols_v)
    pltpu.sync_copy(vals_hbm.at[pl.ds(base, NNZ_PER_SUB)], vals_v)

    def chunk_body(chunk, carry):
        lo = c * (CHUNKS_PER_CORE * CHUNK_ROWS) + chunk * CHUNK_ROWS
        g_base = pl.multiple_of((lo + s * ROWS_PER_TILE) * D_IN_C, D_IN_C)
        l_base = pl.multiple_of(s * STAGE_ELEMS, STAGE_ELEMS)
        ld = pltpu.async_copy(w_hbm.at[pl.ds(g_base, STAGE_ELEMS)],
                              stage_v, ld_sem)
        def mask_body(i, carry):
            r = rows_v[pl.ds(i * 16, 16)]
            cc = cols_v[pl.ds(i * 16, 16)]
            v = vals_v[pl.ds(i * 16, 16)]
            inr = (r >= lo) & (r < lo + CHUNK_ROWS)
            idx1f[pl.ds(i * 16, 16)] = jnp.where(
                inr, (r - lo) * D_IN_C + cc, 0)
            val1f[pl.ds(i * 16, 16)] = jnp.where(inr, v, jnp.float32(0.0))
            return carry

        lax.fori_loop(0, NNZ_PER_SUB // 16, mask_body, 0)
        ld.wait()
        pltpu.sync_copy(stage_v, shared.at[pl.ds(l_base, STAGE_ELEMS)])
        plsc.subcore_barrier()
        pltpu.async_copy(val1f, shared.at[idx1f], sc_sem,
                         add=True).wait()
        plsc.subcore_barrier()
        pltpu.sync_copy(shared.at[pl.ds(l_base, STAGE_ELEMS)], wb_v)
        pltpu.async_copy(wb_v, m_out_hbm.at[pl.ds(g_base, STAGE_ELEMS)],
                         wb_sem).wait()
        return carry

    lax.fori_loop(0, CHUNKS_PER_CORE, chunk_body, 0)


def _scatter_add(w_flat, rows_p, cols_p, vals_p):
    mesh = plsc.VectorSubcoreMesh(core_axis_name="c", subcore_axis_name="s")
    fn = pl.kernel(
        _scatter_body,
        out_type=jax.ShapeDtypeStruct((D_OUT_C * D_IN_C,), jnp.float32),
        mesh=mesh,
        scratch_types=[
            pltpu.VMEM((NNZ_PER_SUB,), jnp.int32),
            pltpu.VMEM((NNZ_PER_SUB,), jnp.int32),
            pltpu.VMEM((NNZ_PER_SUB,), jnp.float32),
            pltpu.VMEM((NNZ_PER_SUB,), jnp.int32),
            pltpu.VMEM((NNZ_PER_SUB,), jnp.float32),
            pltpu.VMEM((STAGE_ELEMS,), jnp.float32),
            pltpu.VMEM((STAGE_ELEMS,), jnp.float32),
            pltpu.VMEM_SHARED((CHUNK_ROWS * D_IN_C,), jnp.float32),
            pltpu.SemaphoreType.DMA,
            pltpu.SemaphoreType.DMA,
            pltpu.SemaphoreType.DMA,
        ],
    )
    return fn(w_flat, rows_p, cols_p, vals_p)


def _matmul_body(x_ref, m_ref, a_ref, b_ref, bw_ref, o_ref):
    r = jax.lax.dot_general(
        x_ref[...], b_ref[...],
        dimension_numbers=(((1,), (1,)), ((), ())),
        preferred_element_type=jnp.float32)
    acc = jax.lax.dot_general(
        x_ref[...], m_ref[...],
        dimension_numbers=(((1,), (1,)), ((), ())),
        preferred_element_type=jnp.float32)
    corr = jax.lax.dot_general(
        r.astype(jnp.bfloat16), a_ref[...],
        dimension_numbers=(((1,), (1,)), ((), ())),
        preferred_element_type=jnp.float32)
    o_ref[...] = acc + corr + bw_ref[...]


def _matmul(x2d, M, A16, B16, bW2d, bm=512):
    nt, _ = x2d.shape
    return pl.pallas_call(
        _matmul_body,
        grid=(nt // bm,),
        in_specs=[
            pl.BlockSpec((bm, D_IN_C), lambda i: (i, 0)),
            pl.BlockSpec((D_OUT_C, D_IN_C), lambda i: (0, 0)),
            pl.BlockSpec((D_OUT_C, RANK_C), lambda i: (0, 0)),
            pl.BlockSpec((RANK_C, D_IN_C), lambda i: (0, 0)),
            pl.BlockSpec((1, D_OUT_C), lambda i: (0, 0)),
        ],
        out_specs=pl.BlockSpec((bm, D_OUT_C), lambda i: (i, 0)),
        out_shape=jax.ShapeDtypeStruct((nt, D_OUT_C), jnp.float32),
    )(x2d, M, A16, B16, bW2d)


def kernel(x, W, bW, A, B, sparse_values, sparse_indices):
    A16 = A.astype(jnp.float16).astype(jnp.float32)
    B16 = B.astype(jnp.float16).astype(jnp.float32)
    vals = sparse_values.astype(jnp.float16).astype(jnp.float32)
    rows = sparse_indices[0].astype(jnp.int32)
    cols = sparse_indices[1].astype(jnp.int32)
    nnz = vals.shape[0]
    pad = NNZ_PAD - nnz
    rows_p = jnp.pad(rows, (0, pad))
    cols_p = jnp.pad(cols, (0, pad))
    vals_p = jnp.pad(vals, (0, pad))

    m1 = _scatter_add(W.reshape(-1), rows_p, cols_p, vals_p)
    m1b = m1.reshape(D_OUT_C, D_IN_C).astype(jnp.bfloat16)

    b, sl, d = x.shape
    x2d = x.reshape(b * sl, d).astype(jnp.bfloat16)
    out = _matmul(x2d, m1b, A16.astype(jnp.bfloat16),
                  B16.astype(jnp.bfloat16), bW.reshape(1, D_OUT_C))
    return out.reshape(b, sl, D_OUT_C)

# --- scband reference (transcript-rebuilt; emitter-appended) ---
"""Pipeline reference for scband-add-sparse-and-low-rank-correction-fp32-83159156785479 (READ-ONLY COPY).

The authoritative reference and input builder live on the scoring server;
editing this copy changes nothing except your own understanding.
"""

import jax, jax.numpy as jnp
import numpy as np

D_IN = 2048
D_OUT = 2048
RANK = 64
NNZ = 41943
ALPHA = 1.0


def setup_inputs(seed: int = 0) -> dict:
    key = jax.random.key(seed)
    ks = jax.random.split(key, 7)
    x = jax.random.normal(ks[0], (2, 4096, D_IN), dtype=jnp.float32)
    W = jax.random.normal(ks[1], (D_OUT, D_IN), dtype=jnp.float32) * 0.02
    bW = jnp.zeros((D_OUT,), dtype=jnp.float32)
    A = jax.random.normal(ks[2], (D_OUT, RANK), dtype=jnp.float32) * 0.02
    B = jax.random.normal(ks[3], (RANK, D_IN), dtype=jnp.float32) * 0.02
    sparse_indices = jax.random.randint(ks[4], (2, NNZ), 0, D_OUT, dtype=jnp.int64)
    sparse_values = jax.random.normal(ks[5], (NNZ,), dtype=jnp.float32) * 0.01
    return {"x": x, "W": W, "bW": bW, "A": A, "B": B,
            "sparse_values": sparse_values, "sparse_indices": sparse_indices}


def reference(x, W, bW, A, B, sparse_values, sparse_indices):
    # inner module: Linear(D_IN -> D_OUT)
    z = jnp.einsum('bsd,od->bso', x, W) + bW
    x32 = x.astype(jnp.float32)
    # buffers stored in fp16 in the torch module, upcast to fp32 for compute
    A32 = A.astype(jnp.float16).astype(jnp.float32)
    B32 = B.astype(jnp.float16).astype(jnp.float32)
    r = jnp.einsum('bsd,rd->bsr', x32, B32)
    corr = jnp.einsum('bsr,or->bso', r, A32)
    # sparse COO correction: coalesce (sum duplicates) == scatter-add into dense
    vals = sparse_values.astype(jnp.float16).astype(jnp.float32)
    rows = sparse_indices[0]
    cols = sparse_indices[1]
    sp_dense = jnp.zeros((D_OUT, D_IN), dtype=jnp.float32).at[rows, cols].add(vals)
    corr = corr + jnp.einsum('bsd,od->bso', x32, sp_dense)
    out = (z.astype(jnp.float32) + corr * ALPHA).astype(x.dtype)
    return out

if __name__ == "__main__":
    import jax
    _d = setup_inputs()
    print(jax.jit(kernel)(*tuple(_d.values())))

</pallas_src>

<mosaic_0001>
#map = affine_map<(d0, d1) -> (0)>
module attributes {stable_mosaic.version = 14 : i64} {
  func.func @_scatter_body(%arg0: i32, %arg1: i32, %arg2: memref<4194304xf32, #tpu.memory_space<hbm>>, %arg3: memref<43008xi32, #tpu.memory_space<hbm>>, %arg4: memref<43008xi32, #tpu.memory_space<hbm>>, %arg5: memref<43008xf32, #tpu.memory_space<hbm>>, %arg6: memref<4194304xf32, #tpu.memory_space<hbm>>, %arg7: memref<2688xi32, #tpu.memory_space<vmem>>, %arg8: memref<2688xi32, #tpu.memory_space<vmem>>, %arg9: memref<2688xf32, #tpu.memory_space<vmem>>, %arg10: memref<2688xi32, #tpu.memory_space<vmem>>, %arg11: memref<2688xf32, #tpu.memory_space<vmem>>, %arg12: memref<32768xf32, #tpu.memory_space<vmem>>, %arg13: memref<32768xf32, #tpu.memory_space<vmem>>, %arg14: memref<524288xf32, #tpu.memory_space<vmem_shared>>, %arg15: memref<!tpu.dma_semaphore, #tpu.memory_space<semaphore_mem>>, %arg16: memref<!tpu.dma_semaphore, #tpu.memory_space<semaphore_mem>>, %arg17: memref<!tpu.dma_semaphore, #tpu.memory_space<semaphore_mem>>) attributes {dimension_semantics = [#tpu.dimension_semantics<core_parallel>, #tpu.dimension_semantics<subcore_parallel>], iteration_bounds = array<i64: 2, 16>, scalar_prefetch = 0 : i64, scratch_operands = 11 : i64, tpu.core_type = #tpu.core_type<sc_vector_subcore>, window_params = [{transform_indices = #map}, {transform_indices = #map}, {transform_indices = #map}, {transform_indices = #map}, {transform_indices = #map}]} {
    %mul3A = arith.constant 2688 : i32
    %mul3A_0 = arith.muli %arg1, %mul3A : i32
    %multiple_of3A = tpu.assume_multiple %mul3A_0, 2688 : i32
    "tpu.region"() ({
      %run_scoped3A = tpu.sem_alloc : memref<!tpu.dma_semaphore, #tpu.memory_space<semaphore_mem>>
      %dma_start3A = tpu.memref_slice %arg3[%multiple_of3A] : memref<43008xi32, #tpu.memory_space<hbm>> -> memref<2688xi32, #tpu.memory_space<hbm>>
      %dma_start3A_6 = tpu.memref_slice %arg3[%multiple_of3A] : memref<43008xi32, #tpu.memory_space<hbm>> -> memref<2688xi32, #tpu.memory_space<hbm>>
      tpu.enqueue_dma source(%dma_start3A_6 : memref<2688xi32, #tpu.memory_space<hbm>>) target(%arg7 : memref<2688xi32, #tpu.memory_space<vmem>>) target_semaphore(%run_scoped3A : memref<!tpu.dma_semaphore, #tpu.memory_space<semaphore_mem>>)
      %dma_wait3A = tpu.memref_slice %arg3[%multiple_of3A] : memref<43008xi32, #tpu.memory_space<hbm>> -> memref<2688xi32, #tpu.memory_space<hbm>>
      %dma_wait3A_7 = tpu.memref_slice %arg3[%multiple_of3A] : memref<43008xi32, #tpu.memory_space<hbm>> -> memref<2688xi32, #tpu.memory_space<hbm>>
      tpu.wait_dma2 semaphore(%run_scoped3A : memref<!tpu.dma_semaphore, #tpu.memory_space<semaphore_mem>>) src(%dma_wait3A_7 : memref<2688xi32, #tpu.memory_space<hbm>>) dst(%arg7 : memref<2688xi32, #tpu.memory_space<vmem>>)
      tpu.yield
    }) : () -> ()
    "tpu.region"() ({
      %run_scoped3A = tpu.sem_alloc : memref<!tpu.dma_semaphore, #tpu.memory_space<semaphore_mem>>
      %dma_start3A = tpu.memref_slice %arg4[%multiple_of3A] : memref<43008xi32, #tpu.memory_space<hbm>> -> memref<2688xi32, #tpu.memory_space<hbm>>
      %dma_start3A_6 = tpu.memref_slice %arg4[%multiple_of3A] : memref<43008xi32, #tpu.memory_space<hbm>> -> memref<2688xi32, #tpu.memory_space<hbm>>
      tpu.enqueue_dma source(%dma_start3A_6 : memref<2688xi32, #tpu.memory_space<hbm>>) target(%arg8 : memref<2688xi32, #tpu.memory_space<vmem>>) target_semaphore(%run_scoped3A : memref<!tpu.dma_semaphore, #tpu.memory_space<semaphore_mem>>)
      %dma_wait3A = tpu.memref_slice %arg4[%multiple_of3A] : memref<43008xi32, #tpu.memory_space<hbm>> -> memref<2688xi32, #tpu.memory_space<hbm>>
      %dma_wait3A_7 = tpu.memref_slice %arg4[%multiple_of3A] : memref<43008xi32, #tpu.memory_space<hbm>> -> memref<2688xi32, #tpu.memory_space<hbm>>
      tpu.wait_dma2 semaphore(%run_scoped3A : memref<!tpu.dma_semaphore, #tpu.memory_space<semaphore_mem>>) src(%dma_wait3A_7 : memref<2688xi32, #tpu.memory_space<hbm>>) dst(%arg8 : memref<2688xi32, #tpu.memory_space<vmem>>)
      tpu.yield
    }) : () -> ()
    "tpu.region"() ({
      %run_scoped3A = tpu.sem_alloc : memref<!tpu.dma_semaphore, #tpu.memory_space<semaphore_mem>>
      %dma_start3A = tpu.memref_slice %arg5[%multiple_of3A] : memref<43008xf32, #tpu.memory_space<hbm>> -> memref<2688xf32, #tpu.memory_space<hbm>>
      %dma_start3A_6 = tpu.memref_slice %arg5[%multiple_of3A] : memref<43008xf32, #tpu.memory_space<hbm>> -> memref<2688xf32, #tpu.memory_space<hbm>>
      tpu.enqueue_dma source(%dma_start3A_6 : memref<2688xf32, #tpu.memory_space<hbm>>) target(%arg9 : memref<2688xf32, #tpu.memory_space<vmem>>) target_semaphore(%run_scoped3A : memref<!tpu.dma_semaphore, #tpu.memory_space<semaphore_mem>>)
      %dma_wait3A = tpu.memref_slice %arg5[%multiple_of3A] : memref<43008xf32, #tpu.memory_space<hbm>> -> memref<2688xf32, #tpu.memory_space<hbm>>
      %dma_wait3A_7 = tpu.memref_slice %arg5[%multiple_of3A] : memref<43008xf32, #tpu.memory_space<hbm>> -> memref<2688xf32, #tpu.memory_space<hbm>>
      tpu.wait_dma2 semaphore(%run_scoped3A : memref<!tpu.dma_semaphore, #tpu.memory_space<semaphore_mem>>) src(%dma_wait3A_7 : memref<2688xf32, #tpu.memory_space<hbm>>) dst(%arg9 : memref<2688xf32, #tpu.memory_space<vmem>>)
      tpu.yield
    }) : () -> ()
    %scan3A = arith.constant 0 : i32
    %scan3A_1 = arith.constant 0 : i32
    %scan3A_2 = arith.constant 4 : i32
    %scan3A_3 = arith.addi %scan3A_1, %scan3A_2 : i32
    %scan3A_4 = arith.constant 1 : i32
    scf.for %scan3A_6 = %scan3A_1 to %scan3A_3 step %scan3A_4  : i32 {
      %mul3A_7 = arith.constant 1024 : i32
      %mul3A_8 = arith.muli %arg0, %mul3A_7 : i32
      %mul3A_9 = arith.constant 256 : i32
      %mul3A_10 = arith.muli %scan3A_6, %mul3A_9 : i32
      %add3A = arith.addi %mul3A_8, %mul3A_10 : i32
      %mul3A_11 = arith.constant 16 : i32
      %mul3A_12 = arith.muli %arg1, %mul3A_11 : i32
      %add3A_13 = arith.addi %add3A, %mul3A_12 : i32
      %mul3A_14 = arith.constant 2048 : i32
      %mul3A_15 = arith.muli %add3A_13, %mul3A_14 : i32
      %multiple_of3A_16 = tpu.assume_multiple %mul3A_15, 2048 : i32
      %mul3A_17 = arith.constant 32768 : i32
      %mul3A_18 = arith.muli %arg1, %mul3A_17 : i32
      %multiple_of3A_19 = tpu.assume_multiple %mul3A_18, 32768 : i32
      %dma_start3A = tpu.memref_slice %arg2[%multiple_of3A_16] : memref<4194304xf32, #tpu.memory_space<hbm>> -> memref<32768xf32, #tpu.memory_space<hbm>>
      %dma_start3A_20 = tpu.memref_slice %arg2[%multiple_of3A_16] : memref<4194304xf32, #tpu.memory_space<hbm>> -> memref<32768xf32, #tpu.memory_space<hbm>>
      tpu.enqueue_dma source(%dma_start3A_20 : memref<32768xf32, #tpu.memory_space<hbm>>) target(%arg12 : memref<32768xf32, #tpu.memory_space<vmem>>) target_semaphore(%arg15 : memref<!tpu.dma_semaphore, #tpu.memory_space<semaphore_mem>>)
      %scan3A_21 = arith.constant 0 : i32
      %scan3A_22 = arith.constant 0 : i32
      %scan3A_23 = arith.constant 168 : i32
      %scan3A_24 = arith.addi %scan3A_22, %scan3A_23 : i32
      %scan3A_25 = arith.constant 1 : i32
      scf.for %scan3A_37 = %scan3A_22 to %scan3A_24 step %scan3A_25  : i32 {
        %mul3A_38 = arith.constant 16 : i32
        %mul3A_39 = arith.muli %scan3A_37, %mul3A_38 : i32
        %get3A = arith.index_cast %mul3A_39 : i32 to index
        %get3A_40 = tpu.vector_load %arg7[%get3A] {strides = array<i32>} : memref<2688xi32, #tpu.memory_space<vmem>>, vector<16xi32>,
        %get3A_41 = vector.shape_cast %get3A_40 : vector<16xi32> to vector<16xi32>
        %mul3A_42 = arith.constant 16 : i32
        %mul3A_43 = arith.muli %scan3A_37, %mul3A_42 : i32
        %get3A_44 = arith.index_cast %mul3A_43 : i32 to index
        %get3A_45 = tpu.vector_load %arg8[%get3A_44] {strides = array<i32>} : memref<2688xi32, #tpu.memory_space<vmem>>, vector<16xi32>,
        %get3A_46 = vector.shape_cast %get3A_45 : vector<16xi32> to vector<16xi32>
        %mul3A_47 = arith.constant 16 : i32
        %mul3A_48 = arith.muli %scan3A_37, %mul3A_47 : i32
        %get3A_49 = arith.index_cast %mul3A_48 : i32 to index
        %get3A_50 = tpu.vector_load %arg9[%get3A_49] {strides = array<i32>} : memref<2688xf32, #tpu.memory_space<vmem>>, vector<16xf32>,
        %get3A_51 = vector.shape_cast %get3A_50 : vector<16xf32> to vector<16xf32>
        %ge3A = vector.broadcast %add3A : i32 to vector<16xi32>
        %ge3A_52 = arith.cmpi sge, %get3A_41, %ge3A : vector<16xi32>
        %add3A_53 = arith.constant 256 : i32
        %add3A_54 = arith.addi %add3A, %add3A_53 : i32
        %lt3A = vector.broadcast %add3A_54 : i32 to vector<16xi32>
        %lt3A_55 = arith.cmpi slt, %get3A_41, %lt3A : vector<16xi32>
        %and3A = arith.andi %ge3A_52, %lt3A_55 : vector<16xi1>
        %sub3A = vector.broadcast %add3A : i32 to vector<16xi32>
        %sub3A_56 = arith.subi %get3A_41, %sub3A : vector<16xi32>
        %mul3A_57 = arith.constant 2048 : i32
        %mul3A_58 = vector.broadcast %mul3A_57 : i32 to vector<16xi32>
        %mul3A_59 = arith.muli %sub3A_56, %mul3A_58 : vector<16xi32>
        %add3A_60 = arith.addi %mul3A_59, %get3A_46 : vector<16xi32>
        %jit3A = arith.constant 0 : i32
        %broadcast_in_dim3A = vector.broadcast %jit3A : i32 to vector<16xi32>
        %select_n3A = arith.select %and3A, %add3A_60, %broadcast_in_dim3A : vector<16xi1>, vector<16xi32>
        %mul3A_61 = arith.constant 16 : i32
        %mul3A_62 = arith.muli %scan3A_37, %mul3A_61 : i32
        %swap3A = arith.index_cast %mul3A_62 : i32 to index
        %swap3A_63 = tpu.vector_load %arg10[%swap3A] {strides = array<i32>} : memref<2688xi32, #tpu.memory_space<vmem>>, vector<16xi32>,
        %swap3A_64 = vector.shape_cast %swap3A_63 : vector<16xi32> to vector<16xi32>
        %swap3A_65 = vector.shape_cast %select_n3A : vector<16xi32> to vector<16xi32>
        tpu.vector_store %arg10[%swap3A], %swap3A_65 {strides = array<i32>} : memref<2688xi32, #tpu.memory_space<vmem>>, vector<16xi32>,
        %jit3A_66 = arith.constant 0.000000e+00 : f32
        %broadcast_in_dim3A_67 = vector.broadcast %jit3A_66 : f32 to vector<16xf32>
        %select_n3A_68 = arith.select %and3A, %get3A_51, %broadcast_in_dim3A_67 : vector<16xi1>, vector<16xf32>
        %mul3A_69 = arith.constant 16 : i32
        %mul3A_70 = arith.muli %scan3A_37, %mul3A_69 : i32
        %swap3A_71 = arith.index_cast %mul3A_70 : i32 to index
        %swap3A_72 = tpu.vector_load %arg11[%swap3A_71] {strides = array<i32>} : memref<2688xf32, #tpu.memory_space<vmem>>, vector<16xf32>,
        %swap3A_73 = vector.shape_cast %swap3A_72 : vector<16xf32> to vector<16xf32>
        %swap3A_74 = vector.shape_cast %select_n3A_68 : vector<16xf32> to vector<16xf32>
        tpu.vector_store %arg11[%swap3A_71], %swap3A_74 {strides = array<i32>} : memref<2688xf32, #tpu.memory_space<vmem>>, vector<16xf32>,
      }
      %scan3A_26 = arith.constant 168 : i32
      %dma_wait3A = tpu.memref_slice %arg2[%multiple_of3A_16] : memref<4194304xf32, #tpu.memory_space<hbm>> -> memref<32768xf32, #tpu.memory_space<hbm>>
      %dma_wait3A_27 = tpu.memref_slice %arg2[%multiple_of3A_16] : memref<4194304xf32, #tpu.memory_space<hbm>> -> memref<32768xf32, #tpu.memory_space<hbm>>
      tpu.wait_dma2 semaphore(%arg15 : memref<!tpu.dma_semaphore, #tpu.memory_space<semaphore_mem>>) src(%dma_wait3A_27 : memref<32768xf32, #tpu.memory_space<hbm>>) dst(%arg12 : memref<32768xf32, #tpu.memory_space<vmem>>)
      "tpu.region"() ({
        %run_scoped3A = tpu.sem_alloc : memref<!tpu.dma_semaphore, #tpu.memory_space<semaphore_mem>>
        %dma_start3A_37 = tpu.memref_slice %arg14[%multiple_of3A_19] : memref<524288xf32, #tpu.memory_space<vmem_shared>> -> memref<32768xf32, #tpu.memory_space<vmem_shared>>
        %dma_start3A_38 = tpu.memref_slice %arg14[%multiple_of3A_19] : memref<524288xf32, #tpu.memory_space<vmem_shared>> -> memref<32768xf32, #tpu.memory_space<vmem_shared>>
        tpu.enqueue_dma source(%arg12 : memref<32768xf32, #tpu.memory_space<vmem>>) target(%dma_start3A_38 : memref<32768xf32, #tpu.memory_space<vmem_shared>>) target_semaphore(%run_scoped3A : memref<!tpu.dma_semaphore, #tpu.memory_space<semaphore_mem>>)
        %dma_wait3A_39 = tpu.memref_slice %arg14[%multiple_of3A_19] : memref<524288xf32, #tpu.memory_space<vmem_shared>> -> memref<32768xf32, #tpu.memory_space<vmem_shared>>
        %dma_wait3A_40 = tpu.memref_slice %arg14[%multiple_of3A_19] : memref<524288xf32, #tpu.memory_space<vmem_shared>> -> memref<32768xf32, #tpu.memory_space<vmem_shared>>
        tpu.wait_dma2 semaphore(%run_scoped3A : memref<!tpu.dma_semaphore, #tpu.memory_space<semaphore_mem>>) src(%arg12 : memref<32768xf32, #tpu.memory_space<vmem>>) dst(%dma_wait3A_40 : memref<32768xf32, #tpu.memory_space<vmem_shared>>)
        tpu.yield
      }) : () -> ()
      %barrier3A = arith.constant 0 : index
      tpu.barrier barrier_id(%barrier3A)
      %dma_start3A_28 = arith.constant 0 : i32
      %dma_start3A_29 = tpu.memref_slice %arg14[%dma_start3A_28] : memref<524288xf32, #tpu.memory_space<vmem_shared>> -> memref<524288xf32, #tpu.memory_space<vmem_shared>>
      tpu.enqueue_indirect_dma source(%arg11 : memref<2688xf32, #tpu.memory_space<vmem>>) target(%dma_start3A_29 : memref<524288xf32, #tpu.memory_space<vmem_shared>>) offsets(%arg10 : memref<2688xi32, #tpu.memory_space<vmem>>) semaphore(%arg16 : memref<!tpu.dma_semaphore, #tpu.memory_space<semaphore_mem>>) {add = true}
      %dma_wait3A_30 = arith.constant 0 : i32
      %dma_wait3A_31 = tpu.memref_slice %arg14[%dma_wait3A_30] : memref<524288xf32, #tpu.memory_space<vmem_shared>> -> memref<524288xf32, #tpu.memory_space<vmem_shared>>
      tpu.wait_indirect_dma semaphore(%arg16 : memref<!tpu.dma_semaphore, #tpu.memory_space<semaphore_mem>>) src(%arg11 : memref<2688xf32, #tpu.memory_space<vmem>>) dst(%dma_wait3A_31 : memref<524288xf32, #tpu.memory_space<vmem_shared>>)
      %barrier3A_32 = arith.constant 0 : index
      tpu.barrier barrier_id(%barrier3A_32)
      "tpu.region"() ({
        %run_scoped3A = tpu.sem_alloc : memref<!tpu.dma_semaphore, #tpu.memory_space<semaphore_mem>>
        %dma_start3A_37 = tpu.memref_slice %arg14[%multiple_of3A_19] : memref<524288xf32, #tpu.memory_space<vmem_shared>> -> memref<32768xf32, #tpu.memory_space<vmem_shared>>
        %dma_start3A_38 = tpu.memref_slice %arg14[%multiple_of3A_19] : memref<524288xf32, #tpu.memory_space<vmem_shared>> -> memref<32768xf32, #tpu.memory_space<vmem_shared>>
        tpu.enqueue_dma source(%dma_start3A_38 : memref<32768xf32, #tpu.memory_space<vmem_shared>>) target(%arg13 : memref<32768xf32, #tpu.memory_space<vmem>>) target_semaphore(%run_scoped3A : memref<!tpu.dma_semaphore, #tpu.memory_space<semaphore_mem>>)
        %dma_wait3A_39 = tpu.memref_slice %arg14[%multiple_of3A_19] : memref<524288xf32, #tpu.memory_space<vmem_shared>> -> memref<32768xf32, #tpu.memory_space<vmem_shared>>
        %dma_wait3A_40 = tpu.memref_slice %arg14[%multiple_of3A_19] : memref<524288xf32, #tpu.memory_space<vmem_shared>> -> memref<32768xf32, #tpu.memory_space<vmem_shared>>
        tpu.wait_dma2 semaphore(%run_scoped3A : memref<!tpu.dma_semaphore, #tpu.memory_space<semaphore_mem>>) src(%dma_wait3A_40 : memref<32768xf32, #tpu.memory_space<vmem_shared>>) dst(%arg13 : memref<32768xf32, #tpu.memory_space<vmem>>)
        tpu.yield
      }) : () -> ()
      %dma_start3A_33 = tpu.memref_slice %arg6[%multiple_of3A_16] : memref<4194304xf32, #tpu.memory_space<hbm>> -> memref<32768xf32, #tpu.memory_space<hbm>>
      %dma_start3A_34 = tpu.memref_slice %arg6[%multiple_of3A_16] : memref<4194304xf32, #tpu.memory_space<hbm>> -> memref<32768xf32, #tpu.memory_space<hbm>>
      tpu.enqueue_dma source(%arg13 : memref<32768xf32, #tpu.memory_space<vmem>>) target(%dma_start3A_34 : memref<32768xf32, #tpu.memory_space<hbm>>) target_semaphore(%arg17 : memref<!tpu.dma_semaphore, #tpu.memory_space<semaphore_mem>>)
      %dma_wait3A_35 = tpu.memref_slice %arg6[%multiple_of3A_16] : memref<4194304xf32, #tpu.memory_space<hbm>> -> memref<32768xf32, #tpu.memory_space<hbm>>
      %dma_wait3A_36 = tpu.memref_slice %arg6[%multiple_of3A_16] : memref<4194304xf32, #tpu.memory_space<hbm>> -> memref<32768xf32, #tpu.memory_space<hbm>>
      tpu.wait_dma2 semaphore(%arg17 : memref<!tpu.dma_semaphore, #tpu.memory_space<semaphore_mem>>) src(%arg13 : memref<32768xf32, #tpu.memory_space<vmem>>) dst(%dma_wait3A_36 : memref<32768xf32, #tpu.memory_space<hbm>>)
    }
    %scan3A_5 = arith.constant 4 : i32
    return
  }
}

module attributes {stable_mosaic.version = 14 : i64} {
  func.func @_matmul_body(%arg0: i32, %arg1: memref<512x2048xbf16, #tpu.memory_space<vmem>>, %arg2: memref<2048x2048xbf16, #tpu.memory_space<vmem>>, %arg3: memref<2048x64xbf16, #tpu.memory_space<vmem>>, %arg4: memref<64x2048xbf16, #tpu.memory_space<vmem>>, %arg5: memref<1x2048xf32, #tpu.memory_space<vmem>>, %arg6: memref<512x2048xf32, #tpu.memory_space<vmem>>) attributes {dimension_semantics = [#tpu.dimension_semantics<arbitrary>], iteration_bounds = array<i64: 16>, scalar_prefetch = 0 : i64, scratch_operands = 0 : i64, tpu.core_type = #tpu.core_type<tc>, window_params = [{transform_indices = @transform_0, window_bounds = array<i64: 512, 2048>}, {pipeline_mode = #tpu.pipeline_mode<synchronous>, transform_indices = @transform_1, window_bounds = array<i64: 2048, 2048>}, {pipeline_mode = #tpu.pipeline_mode<synchronous>, transform_indices = @transform_2, window_bounds = array<i64: 2048, 64>}, {pipeline_mode = #tpu.pipeline_mode<synchronous>, transform_indices = @transform_3, window_bounds = array<i64: 64, 2048>}, {pipeline_mode = #tpu.pipeline_mode<synchronous>, transform_indices = @transform_4, window_bounds = array<i64: 1, 2048>}, {transform_indices = @transform_5, window_bounds = array<i64: 512, 2048>}]} {
    %get3A = arith.constant 0 : index
    %get3A_0 = arith.constant 0 : index
    %get3A_1 = vector.load %arg1[%get3A, %get3A_0] : memref<512x2048xbf16, #tpu.memory_space<vmem>>, vector<512x2048xbf16>
    %get3A_2 = arith.constant 0 : index
    %get3A_3 = arith.constant 0 : index
    %get3A_4 = vector.load %arg4[%get3A_2, %get3A_3] : memref<64x2048xbf16, #tpu.memory_space<vmem>>, vector<64x2048xbf16>
    %dot_general3A = arith.constant dense<0.000000e+00> : vector<512x64xf32>
    %dot_general3A_5 = tpu.matmul %get3A_1, %get3A_4, %dot_general3A {dimension_numbers = #tpu.dot_dimension_numbers<[1], [1], [0], [0], [0, 0, 1, 0], [], []>, transpose_lhs_hint = false} : vector<512x2048xbf16>, vector<64x2048xbf16>, vector<512x64xf32> -> vector<512x64xf32>
    %get3A_6 = arith.constant 0 : index
    %get3A_7 = arith.constant 0 : index
    %get3A_8 = vector.load %arg1[%get3A_6, %get3A_7] : memref<512x2048xbf16, #tpu.memory_space<vmem>>, vector<512x2048xbf16>
    %get3A_9 = arith.constant 0 : index
    %get3A_10 = arith.constant 0 : index
    %get3A_11 = vector.load %arg2[%get3A_9, %get3A_10] : memref<2048x2048xbf16, #tpu.memory_space<vmem>>, vector<2048x2048xbf16>
    %dot_general3A_12 = arith.constant dense<0.000000e+00> : vector<512x2048xf32>
    %dot_general3A_13 = tpu.matmul %get3A_8, %get3A_11, %dot_general3A_12 {dimension_numbers = #tpu.dot_dimension_numbers<[1], [1], [0], [0], [0, 0, 1, 0], [], []>, transpose_lhs_hint = false} : vector<512x2048xbf16>, vector<2048x2048xbf16>, vector<512x2048xf32> -> vector<512x2048xf32>
    %convert_element_type3A = arith.truncf %dot_general3A_5 : vector<512x64xf32> to vector<512x64xbf16>
    %get3A_14 = arith.constant 0 : index
    %get3A_15 = arith.constant 0 : index
    %get3A_16 = vector.load %arg3[%get3A_14, %get3A_15] : memref<2048x64xbf16, #tpu.memory_space<vmem>>, vector<2048x64xbf16>
    %dot_general3A_17 = arith.constant dense<0.000000e+00> : vector<512x2048xf32>
    %dot_general3A_18 = tpu.matmul %convert_element_type3A, %get3A_16, %dot_general3A_17 {dimension_numbers = #tpu.dot_dimension_numbers<[1], [1], [0], [0], [0, 0, 1, 0], [], []>, transpose_lhs_hint = false} : vector<512x64xbf16>, vector<2048x64xbf16>, vector<512x2048xf32> -> vector<512x2048xf32>
    %add3A = arith.addf %dot_general3A_13, %dot_general3A_18 : vector<512x2048xf32>
    %get3A_19 = arith.constant 0 : index
    %get3A_20 = arith.constant 0 : index
    %get3A_21 = vector.load %arg5[%get3A_19, %get3A_20] : memref<1x2048xf32, #tpu.memory_space<vmem>>, vector<1x2048xf32>
    %add3A_22 = vector.broadcast %get3A_21 : vector<1x2048xf32> to vector<512x2048xf32>
    %add3A_23 = arith.addf %add3A, %add3A_22 : vector<512x2048xf32>
    %swap3A = arith.constant 0 : index
    %swap3A_24 = arith.constant 0 : index
    %swap3A_25 = vector.load %arg6[%swap3A, %swap3A_24] : memref<512x2048xf32, #tpu.memory_space<vmem>>, vector<512x2048xf32>
    tpu.vector_store %arg6[%swap3A, %swap3A_24], %add3A_23 {strides = array<i32>} : memref<512x2048xf32, #tpu.memory_space<vmem>>, vector<512x2048xf32>,
    return
  }
  func.func @transform_0(%arg0: i32) -> (i32, i32) {
    %c0_i32 = arith.constant 0 : i32
    %c0_i32_0 = arith.constant 0 : i32
    return %arg0, %c0_i32 : i32, i32
  }
  func.func @transform_1(%arg0: i32) -> (i32, i32) {
    %c0_i32 = arith.constant 0 : i32
    %c0_i32_0 = arith.constant 0 : i32
    %c0_i32_1 = arith.constant 0 : i32
    return %c0_i32, %c0_i32_0 : i32, i32
  }
  func.func @transform_2(%arg0: i32) -> (i32, i32) {
    %c0_i32 = arith.constant 0 : i32
    %c0_i32_0 = arith.constant 0 : i32
    %c0_i32_1 = arith.constant 0 : i32
    return %c0_i32, %c0_i32_0 : i32, i32
  }
  func.func @transform_3(%arg0: i32) -> (i32, i32) {
    %c0_i32 = arith.constant 0 : i32
    %c0_i32_0 = arith.constant 0 : i32
    %c0_i32_1 = arith.constant 0 : i32
    return %c0_i32, %c0_i32_0 : i32, i32
  }
  func.func @transform_4(%arg0: i32) -> (i32, i32) {
    %c0_i32 = arith.constant 0 : i32
    %c0_i32_0 = arith.constant 0 : i32
    %c0_i32_1 = arith.constant 0 : i32
    return %c0_i32, %c0_i32_0 : i32, i32
  }
  func.func @transform_5(%arg0: i32) -> (i32, i32) {
    %c0_i32 = arith.constant 0 : i32
    %c0_i32_0 = arith.constant 0 : i32
    return %arg0, %c0_i32 : i32, i32
  }
}

</mosaic_0001>

<sc_bundles>
// kernel: kernel.4.cloned.1.call-start
scs
__scs_entry_jumppad:
0x0: {  	(pc) =	sbr.rel $0x88, $3  }
0x1: {  	(tag) =	ssettag $0x0;
	lr =	simm.s32 $0x1  }
0x2: {  	[smem:$0x3F9A] =	sst lr;
	_ =	strace $0xD0000000  }
0x3: {  	_ = 	snop  }
0x4: {  	_ = 	snop  }
0x5: {  	_ = 	snop  }
0x6: {  	_ = 	snop  }
0x7: {  	_ = 	snop  }
__scs_overlays_trampoline_lowered:
0x8: {  	[smem:$0x3FA9] =	sst s0  }
0x9: {  	[smem:$0x3FAA] =	sst s1  }
0xa: {  	[smem:$0x3FAB] =	sst s2  }
0xb: {  	[smem:$0x3FAC] =	sst s3  }
0xc: {  	[smem:$0x3FAD] =	sst s4  }
0xd: {  	[smem:$0x3FAE] =	sst s5  }
0xe: {  	[smem:$0x3FAF] =	sst s6  }
0xf: {  	[smem:$0x3FB0] =	sst s7  }
0x10: {  	[smem:$0x3FB1] =	sst s8  }
0x11: {  	[smem:$0x3FB2] =	sst s9;
	s0 =	simm.s32 @!p0 $0x0  }
0x12: {  	s1 =	sld [smem:$0x3F98];
	s0 =	simm.s32 @p0 $0x1  }
0x13: {  	[smem:$0x3FB3] =	sst s0;
	s0 =	simm.s32 @!p1 $0x0  }
0x14: {  	s2 =	sld [smem:$0x3F97];
	s0 =	simm.s32 @p1 $0x1  }
0x15: {  	[smem:$0x3FB4] =	sst s0;
	s0 =	simm.s32 @!p2 $0x0  }
0x16: {  	s3 =	sld [smem:$0x3FDB];
	s0 =	simm.s32 @p2 $0x1  }
0x17: {  	s4 =	simm.s32 $0x1BF5;
	[smem:$0x3FB6] =	sst s0  }
0x18: {  	s0 =	sld [smem:$0x3F99];
	_ =	swait.ge [sflag:s4], $0x0  }
0x19: {  	s7 =	sld [smem:$0x3F9A]  }
0x1a: {  	s8 =	sadd.s32 $0xFFFFE003, lr  }
0x1b: {  	s9 =	sadd.s32 $0xFFFFFEF7, lr;
	s5 =	simm.s32 $0xFFFFFFFF;
	p2 =	slt.u32 s8, $0xFFFFF086  }
0x1c: {  	p1 =	slt.u32 s9, $0xF7A;
	s5 =	simm.s32 @!p2 $0x0  }
0x1d: {  	s5 =	simm.s32 @p1 $0x1;
	p0 =	seq.s32 s7, s2  }
0x1e: {  	s7 =	smul.u32 @!p0 $0xF7A, s2;
	p2 =	seq.s32 @!p0 s5, $0x0  }
0x1f: {  	s9 =	smul.u32 $0xF7A, s1;
	s8 =	simm.s32 @!p0 $0x1BF5;
	p2 =	por !p2, p0  }
0x20: {  	[sflag:s8] =	ssyncset.s32 @!p0 $0xFFFFF086;
	s6 =	sadd.s32 @!p0 s3, s7;
	s7 =	simm.s32 @!p0 $0x108  }
0x21: {  	s3 =	sadd.s32 s3, s9;
	s6 =	sadd.s32 @!p0 $0x88, s6;
	s7 =	simm.s32 @p2 $0x1082  }
0x22: {  	[simem:s7], [sflag:s8] =	dma.local @!p0 [hbm:s6], $0xF7A  }
0x23: {  	s9 =	sor.u32 $0xD0000000, s2;
	s6 =	simm.s32 $0x108;
	_ =	swait.ge @!p0 [sflag:s8], $0x0  }
0x24: {  	s3 =	sadd.s32 $0x88, s3;
	s6 =	simm.s32 @!p1 $0x1082;
	[sflag:s4] =	ssyncset.s32 $0xFFFFF086  }
0x25: {  	[simem:s6], [sflag:s4] =	dma.local [hbm:s3], $0xF7A  }
0x26: {  	[smem:$0x3F9A] =	sst s1;
	(tag) =	ssettag s2;
	_ =	strace s9  }
0x27: {  	s1 =	sld [smem:$0x3FAA]  }
0x28: {  	s2 =	sld [smem:$0x3FAB]  }
0x29: {  	s4 =	sld [smem:$0x3FAD]  }
0x2a: {  	p0 =	seq.s32 s5, $0x0;
	s5 =	sld [smem:$0x3FAE]  }
0x2b: {  	s6 =	sld [smem:$0x3FAF]  }
0x2c: {  	s7 =	sld [smem:$0x3FB0]  }
0x2d: {  	s3 =	simm.s32 $0x108;
	s8 =	sld [smem:$0x3FB1]  }
0x2e: {  	s3 =	simm.s32 @!p0 $0x1082;
	s9 =	sld [smem:$0x3FB2]  }
0x2f: {  	lr =	sadd.s32 s0, s3;
	s0 =	sld [smem:$0x3FA9]  }
0x30: {  	s3 =	sld [smem:$0x3FAC]  }
0x31: {  	[smem:$0x3FB5] =	sst s10  }
0x32: {  	s10 =	sld [smem:$0x3FB3];
	_ =	sdelay $0x3  }
0x33: {  	p0 =	seq.s32 s10, $0x1;
	s10 =	sld [smem:$0x3FB5];
	_ =	sdelay $0x3  }
0x34: {  	[smem:$0x3FB5] =	sst s10  }
0x35: {  	s10 =	sld [smem:$0x3FB4];
	_ =	sdelay $0x3  }
0x36: {  	p1 =	seq.s32 s10, $0x1;
	s10 =	sld [smem:$0x3FB5];
	_ =	sdelay $0x3  }
0x37: {  	[smem:$0x3FB5] =	sst s10  }
0x38: {  	s10 =	sld [smem:$0x3FB6]  }
0x39: {  	_ = 	snop;
	(pc) =	sbr.ind lr, $3  }
0x3a: {  	_ = 	snop  }
0x3b: {  	_ = 	snop  }
0x3c: {  	p2 =	seq.s32 s10, $0x1;
	s10 =	sld [smem:$0x3FB5]  }
0x3d: {  	_ =	shalt  }
0x3e: {  	_ =	shalt  }
0x3f: {  	_ =	shalt  }
0x40: {  	_ =	shalt  }
0x41: {  	_ =	shalt  }
0x42: {  	_ =	shalt  }
0x43: {  	_ =	shalt  }
0x44: {  	_ =	shalt  }
0x45: {  	_ =	shalt  }
0x46: {  	_ =	shalt  }
0x47: {  	_ =	shalt  }
0x48: {  	_ =	shalt  }
0x49: {  	_ =	shalt  }
0x4a: {  	_ =	shalt  }
0x4b: {  	_ =	shalt  }
0x4c: {  	_ =	shalt  }
0x4d: {  	_ =	shalt  }
0x4e: {  	_ =	shalt  }
0x4f: {  	_ =	shalt  }
0x50: {  	_ =	shalt  }
0x51: {  	_ =	shalt  }
0x52: {  	_ =	shalt  }
0x53: {  	_ =	shalt  }
0x54: {  	_ =	shalt  }
0x55: {  	_ =	shalt  }
0x56: {  	_ =	shalt  }
0x57: {  	_ =	shalt  }
0x58: {  	_ =	shalt  }
0x59: {  	_ =	shalt  }
0x5a: {  	_ =	shalt  }
0x5b: {  	_ =	shalt  }
0x5c: {  	_ =	shalt  }
0x5d: {  	_ =	shalt  }
0x5e: {  	_ =	shalt  }
0x5f: {  	_ =	shalt  }
0x60: {  	_ =	shalt  }
0x61: {  	_ =	shalt  }
0x62: {  	_ =	shalt  }
0x63: {  	_ =	shalt  }
0x64: {  	_ =	shalt  }
0x65: {  	_ =	shalt  }
0x66: {  	_ =	shalt  }
0x67: {  	_ =	shalt  }
0x68: {  	_ =	shalt  }
0x69: {  	_ =	shalt  }
0x6a: {  	_ =	shalt  }
0x6b: {  	_ =	shalt  }
0x6c: {  	_ =	shalt  }
0x6d: {  	_ =	shalt  }
0x6e: {  	_ =	shalt  }
0x6f: {  	_ =	shalt  }
0x70: {  	_ =	shalt  }
0x71: {  	_ =	shalt  }
0x72: {  	_ =	shalt  }
0x73: {  	_ =	shalt  }
0x74: {  	_ =	shalt  }
0x75: {  	_ =	shalt  }
0x76: {  	_ =	shalt  }
0x77: {  	_ =	shalt  }
0x78: {  	_ =	shalt  }
0x79: {  	_ =	shalt  }
0x7a: {  	_ =	shalt  }
0x7b: {  	_ =	shalt  }
0x7c: {  	_ =	shalt  }
0x7d: {  	_ =	shalt  }
0x7e: {  	_ =	shalt  }
0x7f: {  	_ =	shalt  }
0x80: {  	_ =	shalt  }
0x81: {  	_ =	shalt  }
0x82: {  	_ =	shalt  }
0x83: {  	_ =	shalt  }
0x84: {  	_ =	shalt  }
0x85: {  	_ =	shalt  }
0x86: {  	_ =	shalt  }
0x87: {  	_ =	shalt  }
.Lfunc_end0:
.L_simem_size_0:
called_computation_lowered:
.L_overlay_start_0:
0x88: {  	s2 =	sld [smem:$0x3FD9]  }
0x89: {  	s3 =	sld [smem:$0x3FFE];
	_ =	sdelay $0x1  }
0x8a: {  	s1 =	srdreg.scid  }
0x8b: {  	s0 =	sand.u32 $0x1, s1  }
0x8c: {  	s17 =	sshll.u32 s0, $0xA;
	s2 =	sadd.s32 s3, s2  }
0x8d: {  	s2 =	sadd.s32 s2, s17  }
0x8e: {  	[smem:$0x3FC1] =	sst s2  }
0x8f: {  	_ = 	snop  }
0x90: {  	s2 =	sld [smem:$0x3FD0];
	(tm) =	ssettm $0x1  }
0x91: {  	s18 =	sld [smem:$0x3FFB];
	_ =	sdelay $0x3  }
0x92: {  	_ =	strace s18  }
0x93: {  	s3 =	sld [smem:$0x3FFC];
	_ =	sdelay $0x3  }
0x94: {  	_ =	strace s3  }
0x95: {  	s3 =	sld [smem:$0x3FFD];
	_ =	sdelay $0x3  }
0x96: {  	_ =	strace s3  }
0x97: {  	_ =	strace $0x8FFFFFFF  }
0x98: {  	s19 =	sld [smem:$0x3FDB];
	_ =	sdelay $0x1  }
0x99: {  	s4 =	simm.s32 $_scs_section_size  }
0x9a: {  	s5 =	simm.s32 $_size__tile_overlayer_lowered;
	s6 =	simm.s32 $_tile_overlayer_lowered  }
0x9b: {  	s22 =	simm.s32 $0x1BFF;
	s21 =	sshll.u32 s6, $0x1;
	s3 =	sadd.s32 s4, s19  }
0x9c: {  	s7 =	simm.s32 $0x0;
	s20 =	sshll.u32 s5, $0x1;
	s5 =	sadd.s32 s21, s3  }
0x9d: {  	[timem:s7], [sflag:s22] =	dma.local [hbm:s5], s20  }
0x9e: {  	_ =	swait.ge [sflag:s22], s20  }
0x9f: {  	s4 =	ssub.s32 $0x0, s20;
	[sflag:s22] =	ssyncset.done $0x0  }
0xa0: {  	[sflag:s22] =	ssyncadd.s32 s4;
	_ =	sdelay $0x1  }
0xa1: {  	s23 =	simm.s32 $0x1B8B  }
0xa2: {  	_ =	swait.ge [sflag:s23], $0x1  }
0xa3: {  	[sflag:s23] =	ssyncset.done $0x0  }
0xa4: {  	s25 =	simm.s32 $0x1B8E;
	s24 =	sld [smem:$0x3FFE];
	[sflag:s23] =	ssyncadd.s32 $0xFFFFFFFF  }
0xa5: {  	s26 =	simm.s32 $execute0_lowered;
	[smem:$0x3FD2] =	sst s25  }
0xa6: {  	s5 =	sshll.u32 s26, $0x1;
	_ =	strace $0x80000046;
	[dreg:$0x1] =	wrdreg $0xFFFFFFFF  }
0xa7: {  	s28 =	simm.s32 $_size_execute0_lowered;
	s3 =	sadd.s32 s3, s5;
	[dreg:$0x0] =	wrdreg $0x0  }
0xa8: {  	s5 =	sshll.u32 s28, $0x1;
	[dreg:$0x2] =	wrdreg s3  }
0xa9: {  	[dreg:$0x3] =	wrdreg s5  }
0xaa: {  	[dreg:$0x4] =	wrdreg $0xC0  }
0xab: {  	_ =	task [dreg:s7], $0x5FFFF  }
0xac: {  	[dreg:$0x1] =	wrdreg $0xFFFFFFFF  }
0xad: {  	[dreg:$0x0] =	wrdreg $0x60  }
0xae: {  	[dreg:$0x2] =	wrdreg s2  }
0xaf: {  	[dreg:$0x3] =	wrdreg s24  }
0xb0: {  	[dreg:$0x4] =	wrdreg $0x134800  }
0xb1: {  	[dreg:$0x5] =	wrdreg $0x9  }
0xb2: {  	_ =	task.clear_ibuf [dreg:s7], $0x6FFFF;
	_ =	strace $0x90000046  }
0xb3: {  	s29 =	simm.s32 $0x9;
	_ =	strace $0x80000048  }
0xb4: {  	_ =	swait.ge [sflag:s29], $0x1  }
0xb5: {  	[sflag:s29] =	ssyncadd.s32 $0xFFFFFFFF  }
0xb6: {  	_ =	strace $0x90000048  }
0xb7: {  	_ =	sfence  }
0xb8: {  	s30 =	sld [smem:$0x0];
	_ =	sdelay $0x2  }
0xb9: {  	s31 =	sshll.u32 s1, $0xD;
	s1 =	sshrl.u32 s1, $0x2  }
0xba: {  	s3 =	sand.u32 $0x4000, s31;
	s1 =	sadd.s32 s1, s30  }
0xbb: {  	s0 =	sor.u32 s3, s0;
	s1 =	sshll.u32 s1, $0x11  }
0xbc: {  	s0 =	sor.u32 s1, s0  }
0xbd: {  	s0 =	sadd.s32 $0x8F2B, s0  }
0xbe: {  	[sflag:s0] =	ssyncadd.remote.s32 $0x1  }
0xbf: {  	_ =	sfence.sel $0xFFFF  }
0xc0: {  	[dreg:$0x0] =	wrdreg $0xFFFFFFFF;
	(pc) =	sbr.abs _section_cstart, $3  }
0xc1: {  	[dreg:$0x1] =	wrdreg $0xFFFFFFFF  }
0xc2: {  	_ =	task.clear_ibuf [dreg:s7], $0x2FFFF;
	_ =	strace $0x9FFFFFFF  }
0xc3: {  	(tm) =	ssettm $0x7FFFFFFF  }
tec
execute0_lowered:
.L_overlay_start_1:
0x0: {  	(tag) =	ssettag $0x1  }
0x1: {  	s2 =	rddreg [dreg:$0x0]  }
0x2: {  	s5 =	rddreg [dreg:$0x1]  }
0x3: {  	s3 =	rddreg [dreg:$0x2]  }
0x4: {  	s0 =	rddreg [dreg:$0x3];
	s1 =	stileid.u32  }
0x5: {  	s6 =	srdreg.scid;
	s4 =	simm.s32 $0x0;
	s13 =	simm.s32 $0x4  }
0x6: {  	s14 =	simm.s32 $0xA80;
	s15 =	simm.s32 $0x1500;
	s16 =	simm.s32 $0x3480  }
0x7: {  	s17 =	simm.s32 $0x1;
	s18 =	simm.s32 $0x1F80;
	s19 =	simm.s32 $0x2A00  }
0x8: {  	s20 =	simm.s32 $0x2;
	s21 =	simm.s32 $0xB480;
	s22 =	simm.s32 $0x3  }
0x9: {  	s23 =	simm.s32 $0x0;
	s7 =	smul.u32 $0x150, s1;
	s9 =	sand.u32 $0x1, s6  }
0xa: {  	[smem:$0x7FF] =	sst s4;
	s11 =	sshll.u32 s1, $0xF;
	s10 =	sshll.u32 s1, $0xC  }
0xb: {  	s6 =	ssub.s32 $0x2, s9;
	_ =	strace $0x80000047;
	s9 =	sshll.u32 s9, $0xA  }
0xc: {  	s11 =	sadd.s32 s11, s3;
	s8 =	sadd.s32 s7, s5;
	s31 =	sshrl.u32 s6, $0x1  }
0xd: {  	s5 =	sadd.s32 $0x4E00, s5;
	s12 =	ssub.s32 s6, s31;
	s6 =	sadd.s32 $0x2200, s8  }
0xe: {  	s7 =	sadd.s32 $0x3800, s8;
	s8 =	sadd.s32 $0xC00, s8;
	s12 =	smax.u32 s12, $0x1  }
.LBB2_1:
0xf: {  	[tilespmem:s4], [sflag:$0x4] =	stream.linear.gather [hbm4b:s6+s4], $0xA80, $0x38;
	[tilespmem:$0x1B480] =	vst v63  }
0x10: {  	_ =	swait.ge [sflag:s13], $0xA80  }
0x11: {  	[sflag:s13] =	ssyncset.done $0x0  }
0x12: {  	[sflag:s13] =	ssyncadd.s32 $0xFFFFF580  }
0x13: {  	[tilespmem:s14], [sflag:$0x4] =	stream.linear.gather [hbm4b:s7+s4], $0xA80, $0x38;
	[tilespmem:$0x1B480] =	vst v63  }
0x14: {  	_ =	swait.ge [sflag:s13], $0xA80  }
0x15: {  	[sflag:s13] =	ssyncset.done $0x0  }
0x16: {  	[sflag:s13] =	ssyncadd.s32 $0xFFFFF580  }
0x17: {  	[tilespmem:s15], [sflag:$0x4] =	stream.linear.gather [hbm4b:s8+s4], $0xA80, $0x38;
	[tilespmem:$0x1B480] =	vst v63  }
0x18: {  	_ =	swait.ge [sflag:s13], $0xA80  }
0x19: {  	[sflag:s13] =	ssyncset.done $0x0  }
0x1a: {  	s24 =	simm.s32 $0x0;
	[sflag:s13] =	ssyncadd.s32 $0xFFFFF580  }
.LBB2_2:
0x1b: {  	s25 =	sshll.u32 s24, $0x8  }
0x1c: {  	s28 =	sadd.s32 s9, s25  }
0x1d: {  	s25 =	sshll.u32 s28, $0x8  }
0x1e: {  	s25 =	sor.u32 s10, s25  }
0x1f: {  	s29 =	simm.s32 $0x0;
	s26 =	sadd.s32 s2, s25  }
0x20: {  	[tilespmem:s16], [sflag:$0x1] =	stream.linear.gather [hbm4b:s26+s29], $0x8000, $0x38;
	[tilespmem:$0x1B480] =	vst v63  }
0x21: {  	s26 =	simm.s32 $0x0  }
0x22: {  	v1 =	vld [tilespmem:s26+$0x0]  }
0x23: {  	v0 =	vld [tilespmem:s26+$0x1500]  }
0x24: {  	v4 =	vld [tilespmem:s26+$0xA80]  }
0x25: {  	s31 =	sadd.s32 $0x100, s28  }
0x26: {  	v2 =	vmov s28;
	s28 =	simm.s32 $0x40;
	v3 =	vmov s31  }
.LBB2_3:
0x27: {  	s29 =	sshra.s32 s28, $0x2;
	p0 =	sne.s32 s28, $0x29C0;
	s28 =	sadd.s32 $0x40, s28;
	v5 =	vsub.s32 v1, v2  }
.Ltmp0:
0x28: {  	vm0 =	vge.s32 v1, v2;
	vm1 =	vlt.s32 v1, v3;
	v1 =	vld [tilespmem:s29+$0x0];
	v5 =	vshll.u32 v5, $0xB;
	v6 =	vmovc v0;
	(pc) =	sbr.rel @p0 .LBB2_3-.Ltmp0, $4  }
0x29: {  	vm0 =	vmand vm0, vm1;
	v0 =	vld [tilespmem:s29+$0x1500];
	v5 =	vadd.s32 v4, v5  }
0x2a: {  	v6 =	vnsel vm0, $0x0, v6;
	v4 =	vld [tilespmem:s29+$0xA80];
	v5 =	vnsel vm0, $0x0, v5  }
0x2b: {  	[tilespmem:s26+$0x1F80] =	vst v5  }
0x2c: {  	[tilespmem:s26+$0x2A00] =	vst v6;
	s26 =	smov.u32 s29  }
0x2d: {  	v5 =	vsub.s32 v1, v2;
	vm0 =	vge.s32 v1, v2;
	vm1 =	vlt.s32 v1, v3  }
0x2e: {  	v63 =	vshll.u32 v5, $0xB;
	vm0 =	vmand vm0, vm1  }
0x2f: {  	v1 =	vadd.s32 v4, v63;
	v0 =	vnsel vm0, $0x0, v0  }
0x30: {  	v1 =	vnsel vm0, $0x0, v1;
	[tilespmem:s26+$0x2A00] =	vst v0  }
0x31: {  	[tilespmem:s26+$0x1F80] =	vst v1  }
0x32: {  	_ =	swait.ge [sflag:s17], $0x8000  }
0x33: {  	[sflag:s17] =	ssyncset.done $0x0  }
0x34: {  	[sflag:s17] =	ssyncadd.s32 $0xFFFF8000  }
0x35: {  	[spmem:s11] =	stream.linear.scatter [tilespmem:s16], [sflag:$0x4], $0x8000, $0x38;
	[tilespmem:$0x1B480] =	vst v63  }
0x36: {  	_ =	swait.ge [sflag:s13], $0x8000  }
0x37: {  	[sflag:s13] =	ssyncset.done $0x0  }
0x38: {  	[sflag:s13] =	ssyncadd.s32 $0xFFFF8000  }
0x39: {  	[bflag:$0x0] =	sbarrier.arrive $0xFFFF  }
0x3a: {  	[spmem:s3] =	stream.indirect.scatter.add.f32 [tilespmem:s19], [sflag:$0x2], $0x1, s18, s14, $0xb8;
	[tilespmem:$0x1B480] =	vst v63  }
0x3b: {  	_ =	swait.ge [sflag:s20], $0xA80  }
0x3c: {  	[sflag:s20] =	ssyncset.done $0x0  }
0x3d: {  	[sflag:s20] =	ssyncadd.s32 $0xFFFFF580  }
0x3e: {  	[bflag:$0x0] =	sbarrier.arrive $0xFFFF  }
0x3f: {  	[tilespmem:s21], [sflag:$0x4] =	stream.linear.gather [spmem:s11], $0x8000, $0x38;
	[tilespmem:$0x1B480] =	vst v63  }
0x40: {  	s24 =	sadd.s32 $0x1, s24;
	_ =	swait.ge [sflag:s13], $0x8000  }
0x41: {  	p0 =	sne.s32 s24, $0x4;
	[sflag:s13] =	ssyncset.done $0x0  }
.Ltmp1:
0x42: {  	s25 =	sadd.s32 s5, s25;
	[sflag:s13] =	ssyncadd.s32 $0xFFFF8000;
	(pc) =	sbr.rel @p0 .LBB2_2-.Ltmp1, $4  }
0x43: {  	[hbm4b:s25+s4] =	stream.linear.scatter [tilespmem:s21], [sflag:$0x3], $0x8000, $0x38;
	[tilespmem:$0x1B480] =	vst v63  }
0x44: {  	_ =	swait.ge [sflag:s22], $0x8000  }
0x45: {  	[sflag:s22] =	ssyncset.done $0x0  }
0x46: {  	[sflag:s22] =	ssyncadd.s32 $0xFFFF8000  }
0x47: {  	s23 =	sadd.s32 $0x1, s23  }
0x48: {  	p0 =	sne.s32 s23, s12  }
.Ltmp2:
0x49: {  	_ = 	snop;
	(pc) =	sbr.rel @p0 .LBB2_1-.Ltmp2, $1  }
0x4a: {  	_ =	sdelay $0x3  }
0x4b: {  	_ =	sfence.sel $0x180000  }
0x4c: {  	[bflag:$0x0] =	sbarrier.arrive $0xFFFF  }
0x4d: {  	p0 =	sne.s32 s1, $0x0;
	_ =	strace $0x90000047  }
0x4e: {  	s0 =	sadd.s32 @!p0 $0x100000, s0;
	[bflag:$0x2] =	sbarrier.arrive $0xFFFF  }
0x4f: {  	[sflag:s0] =	ssyncadd.tile.s32 @!p0 $0x1;
	_ =	shalt  }
.Lfunc_end2:
_tile_overlayer_lowered:
.L_overlay_start_2:
0x50: {  	(tag) =	ssettag $0x2  }
0x51: {  	s0 =	rddreg [dreg:$0x0];
	s2 =	stileid.u32  }
0x52: {  	s1 =	rddreg [dreg:$0x1];
	p0 =	sne.s32 s2, $0x0  }
0x53: {  	s3 =	rddreg [dreg:$0x2];
	[bflag:$0x3] =	sbarrier.arrive $0xFFFF;
	s2 =	simm.s32 @!p0 $0x1C04  }
0x54: {  	[timem:s3], [sflag:s2] =	dma.local @!p0 [hbm:s0], s1  }
0x55: {  	s0 =	simm.s32 @!p0 $0x4  }
0x56: {  	_ =	swait.ge @!p0 [sflag:s0], s1  }
0x57: {  	s1 =	ssub.s32 @!p0 $0x0, s1;
	[sflag:s0] =	ssyncset.done @!p0 $0x0  }
0x58: {  	[sflag:s0] =	ssyncadd.s32 @!p0 s1  }
0x59: {  	[bflag:$0x3] =	sbarrier.arrive $0xFFFF  }
0x5a: {  	_ =	shalt  }

</sc_bundles>
